<compile_context>
chip_gen: v7x
topology: tpu7x:2x2x1
jax: 0.10.2.dev20260603
libtpu: 0.0.44.dev20260713+nightly
codegen_flags: <defaults>
</compile_context>

<pallas_src>
import functools

import jax
import jax.numpy as jnp
from jax import lax
from jax.experimental import pallas as pl
from jax.experimental.pallas import tpu as pltpu
from jax.experimental.pallas import tpu_sc as plsc

B = 4096
INPUT_DIM = 768
HIDDEN_DIM = 512
LATENT_DIM = 32
NUM_EMBEDDINGS = 1024
BETA = 0.25

BM = 2048
NB = B // BM

SC_NC = 2
SC_NS = 16
SC_NW = SC_NC * SC_NS
SC_L = 16
B_PER_W = B // SC_NW


def _encode_body(x_ref, w1_ref, b1_ref, w2_ref, b2_ref, cbt_ref,
                 ze_ref, idx_ref):
    h = jnp.maximum(
        jnp.dot(x_ref[...], w1_ref[...], preferred_element_type=jnp.float32)
        + b1_ref[...], 0.0)
    z_e = (jnp.dot(h, w2_ref[...], preferred_element_type=jnp.float32)
           + b2_ref[...])
    ze_ref[...] = z_e
    cbt = cbt_ref[...]
    cnorm2 = jnp.sum(cbt * cbt, axis=0, keepdims=True)
    scores = jnp.dot(z_e, cbt, preferred_element_type=jnp.float32,
                     precision=lax.Precision.HIGHEST)
    d2 = cnorm2 - 2.0 * scores
    dmin = jnp.min(d2, axis=1, keepdims=True)
    iota = lax.broadcasted_iota(jnp.int32, d2.shape, 1)
    cand = jnp.where(d2 == dmin, iota, NUM_EMBEDDINGS)
    idx_ref[0] = jnp.min(cand, axis=1, keepdims=True)


def _decode_body(ze_ref, zq_ref, w1_ref, b1_ref, w2_ref, b2_ref,
                 xr_ref, zst_ref, loss_ref):
    z_e = ze_ref[...]
    z_q = zq_ref[:, :LATENT_DIM]
    z_st = z_e + (z_q - z_e)
    zst_ref[...] = z_st
    diff = z_q - z_e
    part = jnp.sum(diff * diff, keepdims=True)

    @pl.when(pl.program_id(0) == 0)
    def _():
        loss_ref[...] = jnp.zeros_like(loss_ref)

    loss_ref[...] += part * ((1.0 + BETA) / (B * LATENT_DIM))
    h = jnp.maximum(
        jnp.dot(z_st, w1_ref[...], preferred_element_type=jnp.float32)
        + b1_ref[...], 0.0)
    xr_ref[...] = (jnp.dot(h, w2_ref[...], preferred_element_type=jnp.float32)
                   + b2_ref[...])


GATHER_D = 128


@functools.cache
def _sc_gather_call():
    @functools.partial(
        pl.kernel,
        mesh=plsc.VectorSubcoreMesh(core_axis_name="c", subcore_axis_name="s",
                                    num_cores=SC_NC),
        out_type=jax.ShapeDtypeStruct((B, GATHER_D), jnp.float32),
        scratch_types=[
            pltpu.VMEM_SHARED((NUM_EMBEDDINGS, GATHER_D), jnp.float32),
            pltpu.VMEM((B_PER_W,), jnp.int32),
            pltpu.VMEM((B_PER_W, GATHER_D), jnp.float32),
            pltpu.SemaphoreType.DMA,
        ],
    )
    def _sc_gather(table_hbm, idx_hbm, out_hbm, table_s, idx_v, rows_v, sem):
        wid = lax.axis_index("s") * SC_NC + lax.axis_index("c")
        base = wid * B_PER_W

        @pl.when(lax.axis_index("s") == 0)
        def _():
            pltpu.sync_copy(table_hbm, table_s)

        plsc.subcore_barrier()
        pltpu.sync_copy(idx_hbm.at[pl.ds(base, B_PER_W)], idx_v)
        pltpu.async_copy(table_s.at[idx_v], rows_v, sem).wait()
        pltpu.sync_copy(rows_v, out_hbm.at[pl.ds(base, B_PER_W)])

    return _sc_gather


_encode_call = pl.pallas_call(
    _encode_body,
    grid=(NB,),
    in_specs=[
        pl.BlockSpec((BM, INPUT_DIM), lambda i: (i, 0)),
        pl.BlockSpec((INPUT_DIM, HIDDEN_DIM), lambda i: (0, 0)),
        pl.BlockSpec((1, HIDDEN_DIM), lambda i: (0, 0)),
        pl.BlockSpec((HIDDEN_DIM, LATENT_DIM), lambda i: (0, 0)),
        pl.BlockSpec((1, LATENT_DIM), lambda i: (0, 0)),
        pl.BlockSpec((LATENT_DIM, NUM_EMBEDDINGS), lambda i: (0, 0)),
    ],
    out_specs=[
        pl.BlockSpec((BM, LATENT_DIM), lambda i: (i, 0)),
        pl.BlockSpec((1, BM, 1), lambda i: (i, 0, 0)),
    ],
    out_shape=[
        jax.ShapeDtypeStruct((B, LATENT_DIM), jnp.float32),
        jax.ShapeDtypeStruct((NB, BM, 1), jnp.int32),
    ],
)

_decode_call = pl.pallas_call(
    _decode_body,
    grid=(NB,),
    in_specs=[
        pl.BlockSpec((BM, LATENT_DIM), lambda i: (i, 0)),
        pl.BlockSpec((BM, GATHER_D), lambda i: (i, 0)),
        pl.BlockSpec((LATENT_DIM, HIDDEN_DIM), lambda i: (0, 0)),
        pl.BlockSpec((1, HIDDEN_DIM), lambda i: (0, 0)),
        pl.BlockSpec((HIDDEN_DIM, INPUT_DIM), lambda i: (0, 0)),
        pl.BlockSpec((1, INPUT_DIM), lambda i: (0, 0)),
    ],
    out_specs=[
        pl.BlockSpec((BM, INPUT_DIM), lambda i: (i, 0)),
        pl.BlockSpec((BM, LATENT_DIM), lambda i: (i, 0)),
        pl.BlockSpec((1, 1), lambda i: (0, 0)),
    ],
    out_shape=[
        jax.ShapeDtypeStruct((B, INPUT_DIM), jnp.float32),
        jax.ShapeDtypeStruct((B, LATENT_DIM), jnp.float32),
        jax.ShapeDtypeStruct((1, 1), jnp.float32),
    ],
)


def kernel(x, enc_W1, enc_b1, enc_W2, enc_b2, codebook,
           dec_W1, dec_b1, dec_W2, dec_b2):
    z_e, idx3 = _encode_call(
        x, enc_W1, enc_b1.reshape(1, -1), enc_W2, enc_b2.reshape(1, -1),
        codebook.T)
    indices = idx3.reshape(B)
    codebook_pad = jnp.pad(codebook, ((0, 0), (0, GATHER_D - LATENT_DIM)))
    z_q = _sc_gather_call()(codebook_pad, indices)
    x_recon, z_q_st, loss = _decode_call(
        z_e, z_q, dec_W1, dec_b1.reshape(1, -1), dec_W2,
        dec_b2.reshape(1, -1))
    return (x_recon, z_e, z_q_st, indices, loss.reshape(()))

# --- scband reference (transcript-rebuilt; emitter-appended) ---
"""Pipeline reference for scband-vqvae-36644660969914 (READ-ONLY COPY).

The authoritative reference and input builder live on the scoring server;
editing this copy changes nothing except your own understanding.
"""

import jax, jax.numpy as jnp
import numpy as np

B = 4096
INPUT_DIM = 768
HIDDEN_DIM = 512
LATENT_DIM = 32
NUM_EMBEDDINGS = 1024
BETA = 0.25


def setup_inputs(seed: int = 0) -> dict:
    key = jax.random.key(seed)
    ks = jax.random.split(key, 12)
    x = jax.random.normal(ks[0], (B, INPUT_DIM), dtype=jnp.float32)
    # Encoder: Linear(INPUT, HIDDEN) -> ReLU -> Linear(HIDDEN, LATENT)
    enc_W1 = jax.random.normal(ks[1], (INPUT_DIM, HIDDEN_DIM), dtype=jnp.float32) * (1.0 / np.sqrt(INPUT_DIM))
    enc_b1 = jnp.zeros((HIDDEN_DIM,), dtype=jnp.float32)
    enc_W2 = jax.random.normal(ks[2], (HIDDEN_DIM, LATENT_DIM), dtype=jnp.float32) * (1.0 / np.sqrt(HIDDEN_DIM))
    enc_b2 = jnp.zeros((LATENT_DIM,), dtype=jnp.float32)
    # Codebook: Embedding(NUM_EMBEDDINGS, LATENT_DIM)
    codebook = jax.random.normal(ks[3], (NUM_EMBEDDINGS, LATENT_DIM), dtype=jnp.float32)
    # Decoder: Linear(LATENT, HIDDEN) -> ReLU -> Linear(HIDDEN, INPUT)
    dec_W1 = jax.random.normal(ks[4], (LATENT_DIM, HIDDEN_DIM), dtype=jnp.float32) * (1.0 / np.sqrt(LATENT_DIM))
    dec_b1 = jnp.zeros((HIDDEN_DIM,), dtype=jnp.float32)
    dec_W2 = jax.random.normal(ks[5], (HIDDEN_DIM, INPUT_DIM), dtype=jnp.float32) * (1.0 / np.sqrt(HIDDEN_DIM))
    dec_b2 = jnp.zeros((INPUT_DIM,), dtype=jnp.float32)
    return {"x": x, "enc_W1": enc_W1, "enc_b1": enc_b1, "enc_W2": enc_W2, "enc_b2": enc_b2,
            "codebook": codebook, "dec_W1": dec_W1, "dec_b1": dec_b1, "dec_W2": dec_W2, "dec_b2": dec_b2}


def reference(x, enc_W1, enc_b1, enc_W2, enc_b2, codebook, dec_W1, dec_b1, dec_W2, dec_b2):
    # Encoder
    h = jax.nn.relu(x @ enc_W1 + enc_b1)
    z_e = h @ enc_W2 + enc_b2
    # Vector quantization: nearest codebook vector by L2 norm
    diff = z_e[:, None, :] - codebook[None, :, :]
    distances = jnp.linalg.norm(diff, axis=2)
    indices = jnp.argmin(distances, axis=1)
    z_q = jnp.take(codebook, indices, axis=0)
    # VQ loss
    codebook_loss = jnp.mean((z_q - jax.lax.stop_gradient(z_e)) ** 2)
    commitment_loss = jnp.mean((z_e - jax.lax.stop_gradient(z_q)) ** 2)
    vq_loss = codebook_loss + BETA * commitment_loss
    # Straight-through estimator
    z_q_st = z_e + jax.lax.stop_gradient(z_q - z_e)
    # Decoder
    h2 = jax.nn.relu(z_q_st @ dec_W1 + dec_b1)
    x_recon = h2 @ dec_W2 + dec_b2
    return (x_recon, z_e, z_q_st, indices, vq_loss)

if __name__ == "__main__":
    import jax
    _d = setup_inputs()
    print(jax.jit(kernel)(*tuple(_d.values())))

</pallas_src>

<mosaic_0001>
#map = affine_map<(d0, d1) -> (0, 0)>
#map1 = affine_map<(d0, d1) -> (0)>
module attributes {stable_mosaic.version = 14 : i64} {
  func.func @_sc_gather(%arg0: i32, %arg1: i32, %arg2: memref<1024x128xf32, #tpu.memory_space<hbm>>, %arg3: memref<4096xi32, #tpu.memory_space<hbm>>, %arg4: memref<4096x128xf32, #tpu.memory_space<hbm>>, %arg5: memref<1024x128xf32, #tpu.memory_space<vmem_shared>>, %arg6: memref<128xi32, #tpu.memory_space<vmem>>, %arg7: memref<128x128xf32, #tpu.memory_space<vmem>>, %arg8: memref<!tpu.dma_semaphore, #tpu.memory_space<semaphore_mem>>) attributes {dimension_semantics = [#tpu.dimension_semantics<core_parallel>, #tpu.dimension_semantics<subcore_parallel>], iteration_bounds = array<i64: 2, 16>, scalar_prefetch = 0 : i64, scratch_operands = 4 : i64, tpu.core_type = #tpu.core_type<sc_vector_subcore>, window_params = [{transform_indices = #map}, {transform_indices = #map1}, {transform_indices = #map}]} {
    %mul3A = arith.constant 2 : i32
    %mul3A_0 = arith.muli %arg1, %mul3A : i32
    %add3A = arith.addi %mul3A_0, %arg0 : i32
    %mul3A_1 = arith.constant 128 : i32
    %mul3A_2 = arith.muli %add3A, %mul3A_1 : i32
    %eq3A = arith.constant 0 : i32
    %eq3A_3 = arith.cmpi eq, %arg1, %eq3A : i32
    %convert_element_type3A = arith.extui %eq3A_3 : i1 to i32
    %cond3A = arith.constant 0 : i32
    %cond3A_4 = arith.cmpi ne, %convert_element_type3A, %cond3A : i32
    scf.if %cond3A_4 {
      "tpu.region"() ({
        %run_scoped3A = tpu.sem_alloc : memref<!tpu.dma_semaphore, #tpu.memory_space<semaphore_mem>>
        tpu.enqueue_dma source(%arg2 : memref<1024x128xf32, #tpu.memory_space<hbm>>) target(%arg5 : memref<1024x128xf32, #tpu.memory_space<vmem_shared>>) target_semaphore(%run_scoped3A : memref<!tpu.dma_semaphore, #tpu.memory_space<semaphore_mem>>)
        tpu.wait_dma2 semaphore(%run_scoped3A : memref<!tpu.dma_semaphore, #tpu.memory_space<semaphore_mem>>) src(%arg2 : memref<1024x128xf32, #tpu.memory_space<hbm>>) dst(%arg5 : memref<1024x128xf32, #tpu.memory_space<vmem_shared>>)
        tpu.yield
      }) : () -> ()
    } else {
    }
    %barrier3A = arith.constant 0 : index
    tpu.barrier barrier_id(%barrier3A)
    "tpu.region"() ({
      %run_scoped3A = tpu.sem_alloc : memref<!tpu.dma_semaphore, #tpu.memory_space<semaphore_mem>>
      %dma_start3A_9 = tpu.memref_slice %arg3[%mul3A_2] : memref<4096xi32, #tpu.memory_space<hbm>> -> memref<128xi32, #tpu.memory_space<hbm>>
      %dma_start3A_10 = tpu.memref_slice %arg3[%mul3A_2] : memref<4096xi32, #tpu.memory_space<hbm>> -> memref<128xi32, #tpu.memory_space<hbm>>
      tpu.enqueue_dma source(%dma_start3A_10 : memref<128xi32, #tpu.memory_space<hbm>>) target(%arg6 : memref<128xi32, #tpu.memory_space<vmem>>) target_semaphore(%run_scoped3A : memref<!tpu.dma_semaphore, #tpu.memory_space<semaphore_mem>>)
      %dma_wait3A_11 = tpu.memref_slice %arg3[%mul3A_2] : memref<4096xi32, #tpu.memory_space<hbm>> -> memref<128xi32, #tpu.memory_space<hbm>>
      %dma_wait3A_12 = tpu.memref_slice %arg3[%mul3A_2] : memref<4096xi32, #tpu.memory_space<hbm>> -> memref<128xi32, #tpu.memory_space<hbm>>
      tpu.wait_dma2 semaphore(%run_scoped3A : memref<!tpu.dma_semaphore, #tpu.memory_space<semaphore_mem>>) src(%dma_wait3A_12 : memref<128xi32, #tpu.memory_space<hbm>>) dst(%arg6 : memref<128xi32, #tpu.memory_space<vmem>>)
      tpu.yield
    }) : () -> ()
    %dma_start3A = arith.constant 0 : i32
    %dma_start3A_5 = arith.constant 0 : i32
    %dma_start3A_6 = tpu.memref_slice %arg5[%dma_start3A, %dma_start3A_5] : memref<1024x128xf32, #tpu.memory_space<vmem_shared>> -> memref<1024x128xf32, #tpu.memory_space<vmem_shared>>
    tpu.enqueue_indirect_dma source(%dma_start3A_6 : memref<1024x128xf32, #tpu.memory_space<vmem_shared>>) target(%arg7 : memref<128x128xf32, #tpu.memory_space<vmem>>) offsets(%arg6 : memref<128xi32, #tpu.memory_space<vmem>>) semaphore(%arg8 : memref<!tpu.dma_semaphore, #tpu.memory_space<semaphore_mem>>)
    %dma_wait3A = arith.constant 0 : i32
    %dma_wait3A_7 = arith.constant 0 : i32
    %dma_wait3A_8 = tpu.memref_slice %arg5[%dma_wait3A, %dma_wait3A_7] : memref<1024x128xf32, #tpu.memory_space<vmem_shared>> -> memref<1024x128xf32, #tpu.memory_space<vmem_shared>>
    tpu.wait_indirect_dma semaphore(%arg8 : memref<!tpu.dma_semaphore, #tpu.memory_space<semaphore_mem>>) src(%dma_wait3A_8 : memref<1024x128xf32, #tpu.memory_space<vmem_shared>>) dst(%arg7 : memref<128x128xf32, #tpu.memory_space<vmem>>)
    "tpu.region"() ({
      %run_scoped3A = tpu.sem_alloc : memref<!tpu.dma_semaphore, #tpu.memory_space<semaphore_mem>>
      %dma_start3A_9 = arith.constant 0 : i32
      %dma_start3A_10 = tpu.memref_slice %arg4[%mul3A_2, %dma_start3A_9] : memref<4096x128xf32, #tpu.memory_space<hbm>> -> memref<128x128xf32, #tpu.memory_space<hbm>>
      %dma_start3A_11 = arith.constant 0 : i32
      %dma_start3A_12 = tpu.memref_slice %arg4[%mul3A_2, %dma_start3A_11] : memref<4096x128xf32, #tpu.memory_space<hbm>> -> memref<128x128xf32, #tpu.memory_space<hbm>>
      tpu.enqueue_dma source(%arg7 : memref<128x128xf32, #tpu.memory_space<vmem>>) target(%dma_start3A_12 : memref<128x128xf32, #tpu.memory_space<hbm>>) target_semaphore(%run_scoped3A : memref<!tpu.dma_semaphore, #tpu.memory_space<semaphore_mem>>)
      %dma_wait3A_13 = arith.constant 0 : i32
      %dma_wait3A_14 = tpu.memref_slice %arg4[%mul3A_2, %dma_wait3A_13] : memref<4096x128xf32, #tpu.memory_space<hbm>> -> memref<128x128xf32, #tpu.memory_space<hbm>>
      %dma_wait3A_15 = arith.constant 0 : i32
      %dma_wait3A_16 = tpu.memref_slice %arg4[%mul3A_2, %dma_wait3A_15] : memref<4096x128xf32, #tpu.memory_space<hbm>> -> memref<128x128xf32, #tpu.memory_space<hbm>>
      tpu.wait_dma2 semaphore(%run_scoped3A : memref<!tpu.dma_semaphore, #tpu.memory_space<semaphore_mem>>) src(%arg7 : memref<128x128xf32, #tpu.memory_space<vmem>>) dst(%dma_wait3A_16 : memref<128x128xf32, #tpu.memory_space<hbm>>)
      tpu.yield
    }) : () -> ()
    return
  }
}

module attributes {stable_mosaic.version = 14 : i64} {
  func.func @_encode_body(%arg0: i32, %arg1: memref<2048x768xf32, #tpu.memory_space<vmem>>, %arg2: memref<768x512xf32, #tpu.memory_space<vmem>>, %arg3: memref<1x512xf32, #tpu.memory_space<vmem>>, %arg4: memref<512x32xf32, #tpu.memory_space<vmem>>, %arg5: memref<1x32xf32, #tpu.memory_space<vmem>>, %arg6: memref<32x1024xf32, #tpu.memory_space<vmem>>, %arg7: memref<2048x32xf32, #tpu.memory_space<vmem>>, %arg8: memref<1x2048x1xi32, #tpu.memory_space<vmem>>) attributes {dimension_semantics = [#tpu.dimension_semantics<arbitrary>], iteration_bounds = array<i64: 2>, scalar_prefetch = 0 : i64, scratch_operands = 0 : i64, tpu.core_type = #tpu.core_type<tc>, window_params = [{transform_indices = @transform_0, window_bounds = array<i64: 2048, 768>}, {pipeline_mode = #tpu.pipeline_mode<synchronous>, transform_indices = @transform_1, window_bounds = array<i64: 768, 512>}, {pipeline_mode = #tpu.pipeline_mode<synchronous>, transform_indices = @transform_2, window_bounds = array<i64: 1, 512>}, {pipeline_mode = #tpu.pipeline_mode<synchronous>, transform_indices = @transform_3, window_bounds = array<i64: 512, 32>}, {pipeline_mode = #tpu.pipeline_mode<synchronous>, transform_indices = @transform_4, window_bounds = array<i64: 1, 32>}, {pipeline_mode = #tpu.pipeline_mode<synchronous>, transform_indices = @transform_5, window_bounds = array<i64: 32, 1024>}, {transform_indices = @transform_6, window_bounds = array<i64: 2048, 32>}, {transform_indices = @transform_7, window_bounds = array<i64: 1, 2048, 1>}]} {
    %get3A = arith.constant 0 : index
    %get3A_0 = arith.constant 0 : index
    %get3A_1 = vector.load %arg1[%get3A, %get3A_0] : memref<2048x768xf32, #tpu.memory_space<vmem>>, vector<2048x768xf32>
    %get3A_2 = arith.constant 0 : index
    %get3A_3 = arith.constant 0 : index
    %get3A_4 = vector.load %arg2[%get3A_2, %get3A_3] : memref<768x512xf32, #tpu.memory_space<vmem>>, vector<768x512xf32>
    %dot_general3A = arith.constant dense<0.000000e+00> : vector<2048x512xf32>
    %dot_general3A_5 = tpu.matmul %get3A_1, %get3A_4, %dot_general3A {dimension_numbers = #tpu.dot_dimension_numbers<[1], [0], [0], [1], [0, 0, 1, 1], [], []>, transpose_lhs_hint = false} : vector<2048x768xf32>, vector<768x512xf32>, vector<2048x512xf32> -> vector<2048x512xf32>
    %get3A_6 = arith.constant 0 : index
    %get3A_7 = arith.constant 0 : index
    %get3A_8 = vector.load %arg3[%get3A_6, %get3A_7] : memref<1x512xf32, #tpu.memory_space<vmem>>, vector<1x512xf32>
    %add3A = vector.broadcast %get3A_8 : vector<1x512xf32> to vector<2048x512xf32>
    %add3A_9 = arith.addf %dot_general3A_5, %add3A : vector<2048x512xf32>
    %max3A = arith.constant 0.000000e+00 : f32
    %max3A_10 = vector.broadcast %max3A : f32 to vector<2048x512xf32>
    %max3A_11 = arith.maximumf %add3A_9, %max3A_10 : vector<2048x512xf32>
    %get3A_12 = arith.constant 0 : index
    %get3A_13 = arith.constant 0 : index
    %get3A_14 = vector.load %arg4[%get3A_12, %get3A_13] : memref<512x32xf32, #tpu.memory_space<vmem>>, vector<512x32xf32>
    %dot_general3A_15 = arith.constant dense<0.000000e+00> : vector<2048x32xf32>
    %dot_general3A_16 = tpu.matmul %max3A_11, %get3A_14, %dot_general3A_15 {dimension_numbers = #tpu.dot_dimension_numbers<[1], [0], [0], [1], [0, 0, 1, 1], [], []>, transpose_lhs_hint = false} : vector<2048x512xf32>, vector<512x32xf32>, vector<2048x32xf32> -> vector<2048x32xf32>
    %get3A_17 = arith.constant 0 : index
    %get3A_18 = arith.constant 0 : index
    %get3A_19 = vector.load %arg5[%get3A_17, %get3A_18] : memref<1x32xf32, #tpu.memory_space<vmem>>, vector<1x32xf32>
    %add3A_20 = vector.broadcast %get3A_19 : vector<1x32xf32> to vector<2048x32xf32>
    %add3A_21 = arith.addf %dot_general3A_16, %add3A_20 : vector<2048x32xf32>
    %swap3A = arith.constant 0 : index
    %swap3A_22 = arith.constant 0 : index
    %swap3A_23 = vector.load %arg7[%swap3A, %swap3A_22] : memref<2048x32xf32, #tpu.memory_space<vmem>>, vector<2048x32xf32>
    tpu.vector_store %arg7[%swap3A, %swap3A_22], %add3A_21 {strides = array<i32>} : memref<2048x32xf32, #tpu.memory_space<vmem>>, vector<2048x32xf32>,
    %get3A_24 = arith.constant 0 : index
    %get3A_25 = arith.constant 0 : index
    %get3A_26 = vector.load %arg6[%get3A_24, %get3A_25] : memref<32x1024xf32, #tpu.memory_space<vmem>>, vector<32x1024xf32>
    %mul3A = arith.mulf %get3A_26, %get3A_26 : vector<32x1024xf32>
    %reduce_sum3A = arith.constant dense<0.000000e+00> : vector<1024xf32>
    %reduce_sum3A_27 = vector.multi_reduction <add>, %mul3A, %reduce_sum3A [0] : vector<32x1024xf32> to vector<1024xf32>
    %broadcast_in_dim3A = vector.shape_cast %reduce_sum3A_27 : vector<1024xf32> to vector<1x1024xf32>
    %dot_general3A_28 = arith.constant dense<0.000000e+00> : vector<2048x1024xf32>
    %dot_general3A_29 = tpu.matmul %add3A_21, %get3A_26, %dot_general3A_28 {dimension_numbers = #tpu.dot_dimension_numbers<[1], [0], [0], [1], [0, 0, 1, 1], [], []>, precision = #tpu.contract_precision<fp32>, transpose_lhs_hint = false} : vector<2048x32xf32>, vector<32x1024xf32>, vector<2048x1024xf32> -> vector<2048x1024xf32>
    %mul3A_30 = arith.constant 2.000000e+00 : f32
    %mul3A_31 = vector.broadcast %mul3A_30 : f32 to vector<2048x1024xf32>
    %mul3A_32 = arith.mulf %mul3A_31, %dot_general3A_29 : vector<2048x1024xf32>
    %sub3A = vector.broadcast %broadcast_in_dim3A : vector<1x1024xf32> to vector<2048x1024xf32>
    %sub3A_33 = arith.subf %sub3A, %mul3A_32 : vector<2048x1024xf32>
    %reduce_min3A = arith.constant dense<0x7F800000> : vector<2048xf32>
    %reduce_min3A_34 = vector.multi_reduction <minimumf>, %sub3A_33, %reduce_min3A [1] : vector<2048x1024xf32> to vector<2048xf32>
    %broadcast_in_dim3A_35 = vector.shape_cast %reduce_min3A_34 : vector<2048xf32> to vector<2048x1xf32>
    %iota3A = tpu.iota {dimensions = array<i32: 1>} : vector<2048x1024xi32>
    %eq3A = vector.broadcast %broadcast_in_dim3A_35 : vector<2048x1xf32> to vector<2048x1024xf32>
    %eq3A_36 = arith.cmpf oeq, %sub3A_33, %eq3A : vector<2048x1024xf32>
    %jit3A = arith.constant 1024 : i32
    %broadcast_in_dim3A_37 = vector.broadcast %jit3A : i32 to vector<2048x1024xi32>
    %select_n3A = arith.select %eq3A_36, %iota3A, %broadcast_in_dim3A_37 : vector<2048x1024xi1>, vector<2048x1024xi32>
    %reduce_min3A_38 = arith.constant dense<2147483647> : vector<2048xi32>
    %reduce_min3A_39 = vector.multi_reduction <minsi>, %select_n3A, %reduce_min3A_38 [1] : vector<2048x1024xi32> to vector<2048xi32>
    %broadcast_in_dim3A_40 = vector.shape_cast %reduce_min3A_39 : vector<2048xi32> to vector<2048x1xi32>
    %swap3A_41 = arith.constant 0 : index
    %swap3A_42 = arith.constant 0 : index
    %swap3A_43 = arith.constant 0 : index
    %swap3A_44 = vector.load %arg8[%swap3A_41, %swap3A_42, %swap3A_43] : memref<1x2048x1xi32, #tpu.memory_space<vmem>>, vector<1x2048x1xi32>
    %swap3A_45 = vector.shape_cast %swap3A_44 : vector<1x2048x1xi32> to vector<2048x1xi32>
    %swap3A_46 = vector.shape_cast %broadcast_in_dim3A_40 : vector<2048x1xi32> to vector<1x2048x1xi32>
    tpu.vector_store %arg8[%swap3A_41, %swap3A_42, %swap3A_43], %swap3A_46 {strides = array<i32>} : memref<1x2048x1xi32, #tpu.memory_space<vmem>>, vector<1x2048x1xi32>,
    return
  }
  func.func @transform_0(%arg0: i32) -> (i32, i32) {
    %c0_i32 = arith.constant 0 : i32
    %c0_i32_0 = arith.constant 0 : i32
    return %arg0, %c0_i32 : i32, i32
  }
  func.func @transform_1(%arg0: i32) -> (i32, i32) {
    %c0_i32 = arith.constant 0 : i32
    %c0_i32_0 = arith.constant 0 : i32
    %c0_i32_1 = arith.constant 0 : i32
    return %c0_i32, %c0_i32_0 : i32, i32
  }
  func.func @transform_2(%arg0: i32) -> (i32, i32) {
    %c0_i32 = arith.constant 0 : i32
    %c0_i32_0 = arith.constant 0 : i32
    %c0_i32_1 = arith.constant 0 : i32
    return %c0_i32, %c0_i32_0 : i32, i32
  }
  func.func @transform_3(%arg0: i32) -> (i32, i32) {
    %c0_i32 = arith.constant 0 : i32
    %c0_i32_0 = arith.constant 0 : i32
    %c0_i32_1 = arith.constant 0 : i32
    return %c0_i32, %c0_i32_0 : i32, i32
  }
  func.func @transform_4(%arg0: i32) -> (i32, i32) {
    %c0_i32 = arith.constant 0 : i32
    %c0_i32_0 = arith.constant 0 : i32
    %c0_i32_1 = arith.constant 0 : i32
    return %c0_i32, %c0_i32_0 : i32, i32
  }
  func.func @transform_5(%arg0: i32) -> (i32, i32) {
    %c0_i32 = arith.constant 0 : i32
    %c0_i32_0 = arith.constant 0 : i32
    %c0_i32_1 = arith.constant 0 : i32
    return %c0_i32, %c0_i32_0 : i32, i32
  }
  func.func @transform_6(%arg0: i32) -> (i32, i32) {
    %c0_i32 = arith.constant 0 : i32
    %c0_i32_0 = arith.constant 0 : i32
    return %arg0, %c0_i32 : i32, i32
  }
  func.func @transform_7(%arg0: i32) -> (i32, i32, i32) {
    %c0_i32 = arith.constant 0 : i32
    %c0_i32_0 = arith.constant 0 : i32
    %c0_i32_1 = arith.constant 0 : i32
    return %arg0, %c0_i32, %c0_i32_0 : i32, i32, i32
  }
}

module attributes {stable_mosaic.version = 14 : i64} {
  func.func @_decode_body(%arg0: i32, %arg1: memref<2048x32xf32, #tpu.memory_space<vmem>>, %arg2: memref<2048x128xf32, #tpu.memory_space<vmem>>, %arg3: memref<32x512xf32, #tpu.memory_space<vmem>>, %arg4: memref<1x512xf32, #tpu.memory_space<vmem>>, %arg5: memref<512x768xf32, #tpu.memory_space<vmem>>, %arg6: memref<1x768xf32, #tpu.memory_space<vmem>>, %arg7: memref<2048x768xf32, #tpu.memory_space<vmem>>, %arg8: memref<2048x32xf32, #tpu.memory_space<vmem>>, %arg9: memref<1x1xf32, #tpu.memory_space<vmem>>) attributes {dimension_semantics = [#tpu.dimension_semantics<arbitrary>], iteration_bounds = array<i64: 2>, scalar_prefetch = 0 : i64, scratch_operands = 0 : i64, tpu.core_type = #tpu.core_type<tc>, window_params = [{transform_indices = @transform_0, window_bounds = array<i64: 2048, 32>}, {transform_indices = @transform_1, window_bounds = array<i64: 2048, 128>}, {pipeline_mode = #tpu.pipeline_mode<synchronous>, transform_indices = @transform_2, window_bounds = array<i64: 32, 512>}, {pipeline_mode = #tpu.pipeline_mode<synchronous>, transform_indices = @transform_3, window_bounds = array<i64: 1, 512>}, {pipeline_mode = #tpu.pipeline_mode<synchronous>, transform_indices = @transform_4, window_bounds = array<i64: 512, 768>}, {pipeline_mode = #tpu.pipeline_mode<synchronous>, transform_indices = @transform_5, window_bounds = array<i64: 1, 768>}, {transform_indices = @transform_6, window_bounds = array<i64: 2048, 768>}, {transform_indices = @transform_7, window_bounds = array<i64: 2048, 32>}, {pipeline_mode = #tpu.pipeline_mode<synchronous>, transform_indices = @transform_8, window_bounds = array<i64: 1, 1>}]} {
    %get3A = arith.constant 0 : index
    %get3A_0 = arith.constant 0 : index
    %get3A_1 = vector.load %arg1[%get3A, %get3A_0] : memref<2048x32xf32, #tpu.memory_space<vmem>>, vector<2048x32xf32>
    %get3A_2 = arith.constant 0 : index
    %get3A_3 = arith.constant 0 : index
    %get3A_4 = vector.load %arg2[%get3A_2, %get3A_3] : memref<2048x128xf32, #tpu.memory_space<vmem>>, vector<2048x32xf32>
    %sub3A = arith.subf %get3A_4, %get3A_1 : vector<2048x32xf32>
    %add3A = arith.addf %get3A_1, %sub3A : vector<2048x32xf32>
    %swap3A = arith.constant 0 : index
    %swap3A_5 = arith.constant 0 : index
    %swap3A_6 = vector.load %arg8[%swap3A, %swap3A_5] : memref<2048x32xf32, #tpu.memory_space<vmem>>, vector<2048x32xf32>
    tpu.vector_store %arg8[%swap3A, %swap3A_5], %add3A {strides = array<i32>} : memref<2048x32xf32, #tpu.memory_space<vmem>>, vector<2048x32xf32>,
    %sub3A_7 = arith.subf %get3A_4, %get3A_1 : vector<2048x32xf32>
    %mul3A = arith.mulf %sub3A_7, %sub3A_7 : vector<2048x32xf32>
    %reduce_sum3A = vector.shape_cast %mul3A : vector<2048x32xf32> to vector<1x2048x32xf32>
    %reduce_sum3A_8 = arith.constant dense<0.000000e+00> : vector<1xf32>
    %reduce_sum3A_9 = vector.multi_reduction <add>, %reduce_sum3A, %reduce_sum3A_8 [1, 2] : vector<1x2048x32xf32> to vector<1xf32>
    %reduce_sum3A_10 = vector.shape_cast %reduce_sum3A_9 : vector<1xf32> to vector<1x1x1xf32>
    %reduce_sum3A_11 = vector.extract %reduce_sum3A_10[0, 0, 0] : f32 from vector<1x1x1xf32>
    %broadcast_in_dim3A = vector.broadcast %reduce_sum3A_11 : f32 to vector<1x1xf32>
    %eq3A = arith.constant 0 : i32
    %eq3A_12 = arith.cmpi eq, %arg0, %eq3A : i32
    %convert_element_type3A = arith.extui %eq3A_12 : i1 to i32
    %cond3A = arith.constant 0 : i32
    %cond3A_13 = arith.cmpi ne, %convert_element_type3A, %cond3A : i32
    scf.if %cond3A_13 {
      %broadcast_in_dim3A_48 = arith.constant 0.000000e+00 : f32
      %broadcast_in_dim3A_49 = vector.broadcast %broadcast_in_dim3A_48 : f32 to vector<1x1xf32>
      %swap3A_50 = arith.constant 0 : index
      %swap3A_51 = arith.constant 0 : index
      %swap3A_52 = vector.load %arg9[%swap3A_50, %swap3A_51] : memref<1x1xf32, #tpu.memory_space<vmem>>, vector<1x1xf32>
      tpu.vector_store %arg9[%swap3A_50, %swap3A_51], %broadcast_in_dim3A_49 {strides = array<i32>} : memref<1x1xf32, #tpu.memory_space<vmem>>, vector<1x1xf32>,
    } else {
    }
    %get3A_14 = arith.constant 0 : index
    %get3A_15 = arith.constant 0 : index
    %get3A_16 = vector.load %arg9[%get3A_14, %get3A_15] : memref<1x1xf32, #tpu.memory_space<vmem>>, vector<1x1xf32>
    %mul3A_17 = arith.constant 9.53674316E-6 : f32
    %mul3A_18 = vector.broadcast %mul3A_17 : f32 to vector<1x1xf32>
    %mul3A_19 = arith.mulf %broadcast_in_dim3A, %mul3A_18 : vector<1x1xf32>
    %add3A_20 = arith.addf %get3A_16, %mul3A_19 : vector<1x1xf32>
    %swap3A_21 = arith.constant 0 : index
    %swap3A_22 = arith.constant 0 : index
    %swap3A_23 = vector.load %arg9[%swap3A_21, %swap3A_22] : memref<1x1xf32, #tpu.memory_space<vmem>>, vector<1x1xf32>
    tpu.vector_store %arg9[%swap3A_21, %swap3A_22], %add3A_20 {strides = array<i32>} : memref<1x1xf32, #tpu.memory_space<vmem>>, vector<1x1xf32>,
    %get3A_24 = arith.constant 0 : index
    %get3A_25 = arith.constant 0 : index
    %get3A_26 = vector.load %arg3[%get3A_24, %get3A_25] : memref<32x512xf32, #tpu.memory_space<vmem>>, vector<32x512xf32>
    %dot_general3A = arith.constant dense<0.000000e+00> : vector<2048x512xf32>
    %dot_general3A_27 = tpu.matmul %add3A, %get3A_26, %dot_general3A {dimension_numbers = #tpu.dot_dimension_numbers<[1], [0], [0], [1], [0, 0, 1, 1], [], []>, transpose_lhs_hint = false} : vector<2048x32xf32>, vector<32x512xf32>, vector<2048x512xf32> -> vector<2048x512xf32>
    %get3A_28 = arith.constant 0 : index
    %get3A_29 = arith.constant 0 : index
    %get3A_30 = vector.load %arg4[%get3A_28, %get3A_29] : memref<1x512xf32, #tpu.memory_space<vmem>>, vector<1x512xf32>
    %add3A_31 = vector.broadcast %get3A_30 : vector<1x512xf32> to vector<2048x512xf32>
    %add3A_32 = arith.addf %dot_general3A_27, %add3A_31 : vector<2048x512xf32>
    %max3A = arith.constant 0.000000e+00 : f32
    %max3A_33 = vector.broadcast %max3A : f32 to vector<2048x512xf32>
    %max3A_34 = arith.maximumf %add3A_32, %max3A_33 : vector<2048x512xf32>
    %get3A_35 = arith.constant 0 : index
    %get3A_36 = arith.constant 0 : index
    %get3A_37 = vector.load %arg5[%get3A_35, %get3A_36] : memref<512x768xf32, #tpu.memory_space<vmem>>, vector<512x768xf32>
    %dot_general3A_38 = arith.constant dense<0.000000e+00> : vector<2048x768xf32>
    %dot_general3A_39 = tpu.matmul %max3A_34, %get3A_37, %dot_general3A_38 {dimension_numbers = #tpu.dot_dimension_numbers<[1], [0], [0], [1], [0, 0, 1, 1], [], []>, transpose_lhs_hint = false} : vector<2048x512xf32>, vector<512x768xf32>, vector<2048x768xf32> -> vector<2048x768xf32>
    %get3A_40 = arith.constant 0 : index
    %get3A_41 = arith.constant 0 : index
    %get3A_42 = vector.load %arg6[%get3A_40, %get3A_41] : memref<1x768xf32, #tpu.memory_space<vmem>>, vector<1x768xf32>
    %add3A_43 = vector.broadcast %get3A_42 : vector<1x768xf32> to vector<2048x768xf32>
    %add3A_44 = arith.addf %dot_general3A_39, %add3A_43 : vector<2048x768xf32>
    %swap3A_45 = arith.constant 0 : index
    %swap3A_46 = arith.constant 0 : index
    %swap3A_47 = vector.load %arg7[%swap3A_45, %swap3A_46] : memref<2048x768xf32, #tpu.memory_space<vmem>>, vector<2048x768xf32>
    tpu.vector_store %arg7[%swap3A_45, %swap3A_46], %add3A_44 {strides = array<i32>} : memref<2048x768xf32, #tpu.memory_space<vmem>>, vector<2048x768xf32>,
    return
  }
  func.func @transform_0(%arg0: i32) -> (i32, i32) {
    %c0_i32 = arith.constant 0 : i32
    %c0_i32_0 = arith.constant 0 : i32
    return %arg0, %c0_i32 : i32, i32
  }
  func.func @transform_1(%arg0: i32) -> (i32, i32) {
    %c0_i32 = arith.constant 0 : i32
    %c0_i32_0 = arith.constant 0 : i32
    return %arg0, %c0_i32 : i32, i32
  }
  func.func @transform_2(%arg0: i32) -> (i32, i32) {
    %c0_i32 = arith.constant 0 : i32
    %c0_i32_0 = arith.constant 0 : i32
    %c0_i32_1 = arith.constant 0 : i32
    return %c0_i32, %c0_i32_0 : i32, i32
  }
  func.func @transform_3(%arg0: i32) -> (i32, i32) {
    %c0_i32 = arith.constant 0 : i32
    %c0_i32_0 = arith.constant 0 : i32
    %c0_i32_1 = arith.constant 0 : i32
    return %c0_i32, %c0_i32_0 : i32, i32
  }
  func.func @transform_4(%arg0: i32) -> (i32, i32) {
    %c0_i32 = arith.constant 0 : i32
    %c0_i32_0 = arith.constant 0 : i32
    %c0_i32_1 = arith.constant 0 : i32
    return %c0_i32, %c0_i32_0 : i32, i32
  }
  func.func @transform_5(%arg0: i32) -> (i32, i32) {
    %c0_i32 = arith.constant 0 : i32
    %c0_i32_0 = arith.constant 0 : i32
    %c0_i32_1 = arith.constant 0 : i32
    return %c0_i32, %c0_i32_0 : i32, i32
  }
  func.func @transform_6(%arg0: i32) -> (i32, i32) {
    %c0_i32 = arith.constant 0 : i32
    %c0_i32_0 = arith.constant 0 : i32
    return %arg0, %c0_i32 : i32, i32
  }
  func.func @transform_7(%arg0: i32) -> (i32, i32) {
    %c0_i32 = arith.constant 0 : i32
    %c0_i32_0 = arith.constant 0 : i32
    return %arg0, %c0_i32 : i32, i32
  }
  func.func @transform_8(%arg0: i32) -> (i32, i32) {
    %c0_i32 = arith.constant 0 : i32
    %c0_i32_0 = arith.constant 0 : i32
    %c0_i32_1 = arith.constant 0 : i32
    return %c0_i32, %c0_i32_0 : i32, i32
  }
}

</mosaic_0001>

<sc_bundles>
// kernel: kernel.5.cloned.1.call-start
scs
__scs_entry_jumppad:
0x0: {  	(pc) =	sbr.rel $0x88, $3  }
0x1: {  	(tag) =	ssettag $0x0;
	lr =	simm.s32 $0x1  }
0x2: {  	[smem:$0x3F97] =	sst lr;
	_ =	strace $0xD0000000  }
0x3: {  	_ = 	snop  }
0x4: {  	_ = 	snop  }
0x5: {  	_ = 	snop  }
0x6: {  	_ = 	snop  }
0x7: {  	_ = 	snop  }
__scs_overlays_trampoline_lowered:
0x8: {  	[smem:$0x3FA6] =	sst s0  }
0x9: {  	[smem:$0x3FA7] =	sst s1  }
0xa: {  	[smem:$0x3FA8] =	sst s2  }
0xb: {  	[smem:$0x3FA9] =	sst s3  }
0xc: {  	[smem:$0x3FAA] =	sst s4  }
0xd: {  	[smem:$0x3FAB] =	sst s5  }
0xe: {  	[smem:$0x3FAC] =	sst s6  }
0xf: {  	[smem:$0x3FAD] =	sst s7  }
0x10: {  	[smem:$0x3FAE] =	sst s8  }
0x11: {  	[smem:$0x3FAF] =	sst s9;
	s0 =	simm.s32 @!p0 $0x0  }
0x12: {  	s1 =	sld [smem:$0x3F95];
	s0 =	simm.s32 @p0 $0x1  }
0x13: {  	[smem:$0x3FB0] =	sst s0;
	s0 =	simm.s32 @!p1 $0x0  }
0x14: {  	s2 =	sld [smem:$0x3F94];
	s0 =	simm.s32 @p1 $0x1  }
0x15: {  	[smem:$0x3FB1] =	sst s0;
	s0 =	simm.s32 @!p2 $0x0  }
0x16: {  	s3 =	sld [smem:$0x3FDB];
	s0 =	simm.s32 @p2 $0x1  }
0x17: {  	s4 =	simm.s32 $0x1BF5;
	[smem:$0x3FB3] =	sst s0  }
0x18: {  	s0 =	sld [smem:$0x3F96];
	_ =	swait.ge [sflag:s4], $0x0  }
0x19: {  	s7 =	sld [smem:$0x3F97]  }
0x1a: {  	s8 =	sadd.s32 $0xFFFFE003, lr  }
0x1b: {  	s9 =	sadd.s32 $0xFFFFFEF7, lr;
	s5 =	simm.s32 $0xFFFFFFFF;
	p2 =	slt.u32 s8, $0xFFFFF086  }
0x1c: {  	p1 =	slt.u32 s9, $0xF7A;
	s5 =	simm.s32 @!p2 $0x0  }
0x1d: {  	s5 =	simm.s32 @p1 $0x1;
	p0 =	seq.s32 s7, s2  }
0x1e: {  	s7 =	smul.u32 @!p0 $0xF7A, s2;
	p2 =	seq.s32 @!p0 s5, $0x0  }
0x1f: {  	s9 =	smul.u32 $0xF7A, s1;
	s8 =	simm.s32 @!p0 $0x1BF5;
	p2 =	por !p2, p0  }
0x20: {  	[sflag:s8] =	ssyncset.s32 @!p0 $0xFFFFF086;
	s6 =	sadd.s32 @!p0 s3, s7;
	s7 =	simm.s32 @!p0 $0x108  }
0x21: {  	s3 =	sadd.s32 s3, s9;
	s6 =	sadd.s32 @!p0 $0x88, s6;
	s7 =	simm.s32 @p2 $0x1082  }
0x22: {  	[simem:s7], [sflag:s8] =	dma.local @!p0 [hbm:s6], $0xF7A  }
0x23: {  	s9 =	sor.u32 $0xD0000000, s2;
	s6 =	simm.s32 $0x108;
	_ =	swait.ge @!p0 [sflag:s8], $0x0  }
0x24: {  	s3 =	sadd.s32 $0x88, s3;
	s6 =	simm.s32 @!p1 $0x1082;
	[sflag:s4] =	ssyncset.s32 $0xFFFFF086  }
0x25: {  	[simem:s6], [sflag:s4] =	dma.local [hbm:s3], $0xF7A  }
0x26: {  	[smem:$0x3F97] =	sst s1;
	(tag) =	ssettag s2;
	_ =	strace s9  }
0x27: {  	s1 =	sld [smem:$0x3FA7]  }
0x28: {  	s2 =	sld [smem:$0x3FA8]  }
0x29: {  	s4 =	sld [smem:$0x3FAA]  }
0x2a: {  	p0 =	seq.s32 s5, $0x0;
	s5 =	sld [smem:$0x3FAB]  }
0x2b: {  	s6 =	sld [smem:$0x3FAC]  }
0x2c: {  	s7 =	sld [smem:$0x3FAD]  }
0x2d: {  	s3 =	simm.s32 $0x108;
	s8 =	sld [smem:$0x3FAE]  }
0x2e: {  	s3 =	simm.s32 @!p0 $0x1082;
	s9 =	sld [smem:$0x3FAF]  }
0x2f: {  	lr =	sadd.s32 s0, s3;
	s0 =	sld [smem:$0x3FA6]  }
0x30: {  	s3 =	sld [smem:$0x3FA9]  }
0x31: {  	[smem:$0x3FB2] =	sst s10  }
0x32: {  	s10 =	sld [smem:$0x3FB0];
	_ =	sdelay $0x3  }
0x33: {  	p0 =	seq.s32 s10, $0x1;
	s10 =	sld [smem:$0x3FB2];
	_ =	sdelay $0x3  }
0x34: {  	[smem:$0x3FB2] =	sst s10  }
0x35: {  	s10 =	sld [smem:$0x3FB1];
	_ =	sdelay $0x3  }
0x36: {  	p1 =	seq.s32 s10, $0x1;
	s10 =	sld [smem:$0x3FB2];
	_ =	sdelay $0x3  }
0x37: {  	[smem:$0x3FB2] =	sst s10  }
0x38: {  	s10 =	sld [smem:$0x3FB3]  }
0x39: {  	_ = 	snop;
	(pc) =	sbr.ind lr, $3  }
0x3a: {  	_ = 	snop  }
0x3b: {  	_ = 	snop  }
0x3c: {  	p2 =	seq.s32 s10, $0x1;
	s10 =	sld [smem:$0x3FB2]  }
0x3d: {  	_ =	shalt  }
0x3e: {  	_ =	shalt  }
0x3f: {  	_ =	shalt  }
0x40: {  	_ =	shalt  }
0x41: {  	_ =	shalt  }
0x42: {  	_ =	shalt  }
0x43: {  	_ =	shalt  }
0x44: {  	_ =	shalt  }
0x45: {  	_ =	shalt  }
0x46: {  	_ =	shalt  }
0x47: {  	_ =	shalt  }
0x48: {  	_ =	shalt  }
0x49: {  	_ =	shalt  }
0x4a: {  	_ =	shalt  }
0x4b: {  	_ =	shalt  }
0x4c: {  	_ =	shalt  }
0x4d: {  	_ =	shalt  }
0x4e: {  	_ =	shalt  }
0x4f: {  	_ =	shalt  }
0x50: {  	_ =	shalt  }
0x51: {  	_ =	shalt  }
0x52: {  	_ =	shalt  }
0x53: {  	_ =	shalt  }
0x54: {  	_ =	shalt  }
0x55: {  	_ =	shalt  }
0x56: {  	_ =	shalt  }
0x57: {  	_ =	shalt  }
0x58: {  	_ =	shalt  }
0x59: {  	_ =	shalt  }
0x5a: {  	_ =	shalt  }
0x5b: {  	_ =	shalt  }
0x5c: {  	_ =	shalt  }
0x5d: {  	_ =	shalt  }
0x5e: {  	_ =	shalt  }
0x5f: {  	_ =	shalt  }
0x60: {  	_ =	shalt  }
0x61: {  	_ =	shalt  }
0x62: {  	_ =	shalt  }
0x63: {  	_ =	shalt  }
0x64: {  	_ =	shalt  }
0x65: {  	_ =	shalt  }
0x66: {  	_ =	shalt  }
0x67: {  	_ =	shalt  }
0x68: {  	_ =	shalt  }
0x69: {  	_ =	shalt  }
0x6a: {  	_ =	shalt  }
0x6b: {  	_ =	shalt  }
0x6c: {  	_ =	shalt  }
0x6d: {  	_ =	shalt  }
0x6e: {  	_ =	shalt  }
0x6f: {  	_ =	shalt  }
0x70: {  	_ =	shalt  }
0x71: {  	_ =	shalt  }
0x72: {  	_ =	shalt  }
0x73: {  	_ =	shalt  }
0x74: {  	_ =	shalt  }
0x75: {  	_ =	shalt  }
0x76: {  	_ =	shalt  }
0x77: {  	_ =	shalt  }
0x78: {  	_ =	shalt  }
0x79: {  	_ =	shalt  }
0x7a: {  	_ =	shalt  }
0x7b: {  	_ =	shalt  }
0x7c: {  	_ =	shalt  }
0x7d: {  	_ =	shalt  }
0x7e: {  	_ =	shalt  }
0x7f: {  	_ =	shalt  }
0x80: {  	_ =	shalt  }
0x81: {  	_ =	shalt  }
0x82: {  	_ =	shalt  }
0x83: {  	_ =	shalt  }
0x84: {  	_ =	shalt  }
0x85: {  	_ =	shalt  }
0x86: {  	_ =	shalt  }
0x87: {  	_ =	shalt  }
.Lfunc_end0:
.L_simem_size_0:
called_computation_lowered:
.L_overlay_start_0:
0x88: {  	s2 =	sld [smem:$0x3FD9]  }
0x89: {  	s3 =	sld [smem:$0x3FFE];
	_ =	sdelay $0x1  }
0x8a: {  	s1 =	srdreg.scid  }
0x8b: {  	s0 =	sand.u32 $0x1, s1  }
0x8c: {  	s15 =	sshll.u32 s0, $0xA;
	s2 =	sadd.s32 s3, s2  }
0x8d: {  	s2 =	sadd.s32 s2, s15  }
0x8e: {  	[smem:$0x3FBE] =	sst s2  }
0x8f: {  	_ = 	snop  }
0x90: {  	s2 =	sld [smem:$0x3FD0];
	_ =	sdelay $0x2  }
0x91: {  	s16 =	simm.s32 $0xA;
	s4 =	simm.s32 $0x10  }
0x92: {  	[smem:s4], [sflag:s16] =	dma.local [hbm:s2], $0x1  }
0x93: {  	_ =	swait.eq [sflag:s16], $0x1  }
0x94: {  	s17 =	sld [smem:$0x10];
	[sflag:s16] =	ssyncset.done $0x0  }
0x95: {  	s18 =	sld [smem:$0x12];
	[sflag:s16] =	ssyncadd.s32 $0xFFFFFFFF  }
0x96: {  	s19 =	sld [smem:$0x13];
	(tm) =	ssettm $0x1  }
0x97: {  	s5 =	sld [smem:$0x3FFB];
	_ =	sdelay $0x3  }
0x98: {  	_ =	strace s5  }
0x99: {  	s5 =	sld [smem:$0x3FFC];
	_ =	sdelay $0x3  }
0x9a: {  	_ =	strace s5  }
0x9b: {  	s5 =	sld [smem:$0x3FFD];
	_ =	sdelay $0x3  }
0x9c: {  	_ =	strace s5  }
0x9d: {  	_ =	strace $0x8FFFFFFF  }
0x9e: {  	s20 =	sld [smem:$0x3FDB];
	_ =	sdelay $0x1  }
0x9f: {  	s6 =	simm.s32 $_scs_section_size  }
0xa0: {  	s7 =	simm.s32 $_size__tile_overlayer_lowered;
	s8 =	simm.s32 $_tile_overlayer_lowered  }
0xa1: {  	s23 =	simm.s32 $0x1BFF;
	s22 =	sshll.u32 s8, $0x1;
	s5 =	sadd.s32 s6, s20  }
0xa2: {  	s9 =	simm.s32 $0x0;
	s21 =	sshll.u32 s7, $0x1;
	s7 =	sadd.s32 s22, s5  }
0xa3: {  	[timem:s9], [sflag:s23] =	dma.local [hbm:s7], s21  }
0xa4: {  	_ =	swait.ge [sflag:s23], s21  }
0xa5: {  	s6 =	ssub.s32 $0x0, s21;
	[sflag:s23] =	ssyncset.done $0x0  }
0xa6: {  	[sflag:s23] =	ssyncadd.s32 s6;
	_ =	sdelay $0x1  }
0xa7: {  	s24 =	simm.s32 $0x1B8B  }
0xa8: {  	_ =	swait.ge [sflag:s24], $0x1  }
0xa9: {  	[sflag:s24] =	ssyncset.done $0x0  }
0xaa: {  	s25 =	simm.s32 $0x1B8E;
	[sflag:s24] =	ssyncadd.s32 $0xFFFFFFFF  }
0xab: {  	s26 =	simm.s32 $execute0_lowered;
	[smem:$0x3FD2] =	sst s25  }
0xac: {  	s6 =	sshll.u32 s26, $0x1;
	_ =	strace $0x80000046;
	[dreg:$0x1] =	wrdreg $0xFFFFFFFF  }
0xad: {  	s28 =	simm.s32 $_size_execute0_lowered;
	s5 =	sadd.s32 s5, s6;
	[dreg:$0x0] =	wrdreg $0x0  }
0xae: {  	s6 =	sshll.u32 s28, $0x1;
	[dreg:$0x2] =	wrdreg s5  }
0xaf: {  	[dreg:$0x3] =	wrdreg s6  }
0xb0: {  	[dreg:$0x4] =	wrdreg $0xC0  }
0xb1: {  	_ =	task [dreg:s9], $0x5FFFF  }
0xb2: {  	[dreg:$0x1] =	wrdreg $0xFFFFFFFF  }
0xb3: {  	[dreg:$0x0] =	wrdreg $0x60  }
0xb4: {  	[dreg:$0x2] =	wrdreg s18  }
0xb5: {  	[dreg:$0x3] =	wrdreg s19  }
0xb6: {  	[dreg:$0x4] =	wrdreg s17  }
0xb7: {  	[dreg:$0x5] =	wrdreg $0x0  }
0xb8: {  	[dreg:$0x6] =	wrdreg $0x9  }
0xb9: {  	_ =	task.clear_ibuf [dreg:s9], $0x7FFFF;
	_ =	strace $0x90000046  }
0xba: {  	s29 =	simm.s32 $0x9;
	_ =	strace $0x80000048  }
0xbb: {  	_ =	swait.ge [sflag:s29], $0x1  }
0xbc: {  	[sflag:s29] =	ssyncadd.s32 $0xFFFFFFFF  }
0xbd: {  	_ =	strace $0x90000048  }
0xbe: {  	_ =	sfence  }
0xbf: {  	s30 =	sld [smem:$0x0];
	_ =	sdelay $0x2  }
0xc0: {  	s31 =	sshll.u32 s1, $0xD;
	s1 =	sshrl.u32 s1, $0x2  }
0xc1: {  	s3 =	sand.u32 $0x4000, s31;
	s1 =	sadd.s32 s1, s30  }
0xc2: {  	s0 =	sor.u32 s3, s0;
	s1 =	sshll.u32 s1, $0x11  }
0xc3: {  	s0 =	sor.u32 s1, s0  }
0xc4: {  	s0 =	sadd.s32 $0x8F2B, s0  }
0xc5: {  	[sflag:s0] =	ssyncadd.remote.s32 $0x1  }
0xc6: {  	_ =	sfence.sel $0xFFFF  }
0xc7: {  	[dreg:$0x0] =	wrdreg $0xFFFFFFFF;
	(pc) =	sbr.abs _section_cstart, $3  }
0xc8: {  	[dreg:$0x1] =	wrdreg $0xFFFFFFFF  }
0xc9: {  	_ =	task.clear_ibuf [dreg:s9], $0x2FFFF;
	_ =	strace $0x9FFFFFFF  }
0xca: {  	(tm) =	ssettm $0x7FFFFFFF  }
0xcb: {  	_ =	shalt  }
tec
execute0_lowered:
.L_overlay_start_1:
0x0: {  	(tag) =	ssettag $0x1  }
0x1: {  	s2 =	srdreg.scid  }
0x2: {  	s6 =	sand.u32 $0x1, s2  }
0x3: {  	s7 =	stileid.u32;
	s9 =	sshll.u32 s6, $0x7;
	s6 =	ssub.s32 $0x2, s6  }
0x4: {  	s3 =	rddreg [dreg:$0x0];
	s8 =	sshll.u32 s7, $0x8;
	s29 =	sshrl.u32 s6, $0x1  }
0x5: {  	s4 =	rddreg [dreg:$0x1];
	s8 =	sor.u32 s9, s8;
	s9 =	ssub.s32 s6, s29  }
0x6: {  	s5 =	rddreg [dreg:$0x2];
	s31 =	smax.u32 s9, $0x1  }
0x7: {  	s1 =	rddreg [dreg:$0x3];
	s14 =	sadd.s32 $0xFFFFFFFF, s31  }
0x8: {  	s0 =	rddreg [dreg:$0x4];
	p1 =	por $0x0, $0x0;
	p2 =	sne.s32 s14, $0x0  }
.Ltmp0:
0x9: {  	s2 =	simm.s32 $0x0;
	p0 =	sne.s32 s7, $0x0;
	(pc) =	sbr.rel @!p2 .LBB2_3-.Ltmp0, $4  }
0xa: {  	s7 =	simm.s32 $0x2000;
	[smem:$0x7FF] =	sst s2;
	s11 =	sshrl.u32 @!p0 s1, $0x3  }
0xb: {  	_ =	strace $0x80000047;
	s10 =	sshrl.u32 s8, $0x3;
	s30 =	sshll.u32 s8, $0x4  }
0xc: {  	s8 =	simm.s32 $0x2080;
	s6 =	sadd.s32 s4, s10;
	s4 =	sadd.s32 s5, s30  }
0xd: {  	s5 =	simm.s32 $0x2;
	s9 =	simm.s32 $0x80;
	s10 =	simm.s32 $0x1  }
0xe: {  	s12 =	simm.s32 @!p0 $0x1C02;
	s13 =	simm.s32 @!p0 $0x2  }
0xf: {  	[spmem:s11], [sflag:s12] =	dma.local @!p0 [hbm:s3], $0x4000  }
0x10: {  	_ =	swait.ge @!p0 [sflag:s13], $0x4000  }
0x11: {  	[sflag:s13] =	ssyncset.done @!p0 $0x0  }
0x12: {  	[sflag:s13] =	ssyncadd.s32 @!p0 $0xFFFFC000  }
0x13: {  	[bflag:$0x0] =	sbarrier.arrive $0xFFFF  }
0x14: {  	[tilespmem:s7], [sflag:$0x2] =	stream.linear.gather [hbm4b:s6+s2], $0x80, $0x38;
	[tilespmem:$0x6080] =	vst v63  }
0x15: {  	_ =	swait.ge [sflag:s5], $0x80  }
0x16: {  	[sflag:s5] =	ssyncset.done $0x0  }
0x17: {  	s14 =	sadd.s32 $0xFFFFFFFF, s14;
	[sflag:s5] =	ssyncadd.s32 $0xFFFFFF80  }
0x18: {  	[tilespmem:s8], [sflag:$0x1] =	stream.indirect.gather [spmem:s1], $0x80, s7, s9, $0xb8;
	[tilespmem:$0x6080] =	vst v63  }
0x19: {  	p2 =	sne.s32 s14, $0x0;
	_ =	swait.ge [sflag:s10], $0x4000  }
.Ltmp1:
0x1a: {  	[sflag:s10] =	ssyncset.done $0x0;
	(pc) =	sbr.rel @!p2 .LBB2_3-.Ltmp1, $4  }
0x1b: {  	[sflag:s10] =	ssyncadd.s32 $0xFFFFC000  }
0x1c: {  	[hbm4b:s4+s2] =	stream.linear.scatter [tilespmem:s8], [sflag:$0x2], $0x4000, $0x38;
	[tilespmem:$0x6080] =	vst v63  }
0x1d: {  	_ =	swait.ge [sflag:s5], $0x4000  }
0x1e: {  	p1 =	por $0x1, $0x1;
	[sflag:s5] =	ssyncset.done $0x0  }
.LBB2_2:
0x1f: {  	[sflag:s5] =	ssyncadd.s32 $0xFFFFC000  }
0x20: {  	[spmem:s11], [sflag:s12] =	dma.local @!p0 [hbm:s3], $0x4000  }
0x21: {  	s14 =	sadd.s32 $0xFFFFFFFF, s14;
	_ =	swait.ge @!p0 [sflag:s13], $0x4000  }
0x22: {  	p2 =	sne.s32 s14, $0x0;
	[sflag:s13] =	ssyncset.done @!p0 $0x0  }
0x23: {  	[sflag:s13] =	ssyncadd.s32 @!p0 $0xFFFFC000  }
0x24: {  	[bflag:$0x0] =	sbarrier.arrive $0xFFFF  }
0x25: {  	[tilespmem:s7], [sflag:$0x2] =	stream.linear.gather [hbm4b:s6+s2], $0x80, $0x38;
	[tilespmem:$0x6080] =	vst v63  }
0x26: {  	_ =	swait.ge [sflag:s5], $0x80  }
0x27: {  	[sflag:s5] =	ssyncset.done $0x0  }
0x28: {  	[sflag:s5] =	ssyncadd.s32 $0xFFFFFF80  }
0x29: {  	[tilespmem:s8], [sflag:$0x1] =	stream.indirect.gather [spmem:s1], $0x80, s7, s9, $0xb8;
	[tilespmem:$0x6080] =	vst v63  }
0x2a: {  	_ =	swait.ge [sflag:s10], $0x4000  }
.Ltmp2:
0x2b: {  	[sflag:s10] =	ssyncset.done $0x0;
	(pc) =	sbr.rel @p2 .LBB2_2-.Ltmp2, $4  }
0x2c: {  	[sflag:s10] =	ssyncadd.s32 $0xFFFFC000  }
0x2d: {  	[hbm4b:s4+s2] =	stream.linear.scatter [tilespmem:s8], [sflag:$0x2], $0x4000, $0x38;
	[tilespmem:$0x6080] =	vst v63  }
0x2e: {  	_ =	swait.ge [sflag:s5], $0x4000  }
0x2f: {  	[sflag:s5] =	ssyncset.done $0x0  }
.LBB2_3:
0x30: {  	s12 =	simm.s32 @!p0 $0x1C02;
	s13 =	simm.s32 @!p0 $0x2;
	[sflag:s5] =	ssyncadd.s32 @p1 $0xFFFFC000  }
0x31: {  	[spmem:s11], [sflag:s12] =	dma.local @!p0 [hbm:s3], $0x4000  }
0x32: {  	_ =	swait.ge @!p0 [sflag:s13], $0x4000  }
0x33: {  	[sflag:s13] =	ssyncset.done @!p0 $0x0  }
0x34: {  	[sflag:s13] =	ssyncadd.s32 @!p0 $0xFFFFC000  }
0x35: {  	[bflag:$0x0] =	sbarrier.arrive $0xFFFF  }
0x36: {  	[tilespmem:s7], [sflag:$0x2] =	stream.linear.gather [hbm4b:s6+s2], $0x80, $0x38;
	[tilespmem:$0x6080] =	vst v63  }
0x37: {  	_ =	swait.ge [sflag:s5], $0x80  }
0x38: {  	[sflag:s5] =	ssyncset.done $0x0  }
0x39: {  	[sflag:s5] =	ssyncadd.s32 $0xFFFFFF80  }
0x3a: {  	[tilespmem:s8], [sflag:$0x1] =	stream.indirect.gather [spmem:s1], $0x80, s7, s9, $0xb8;
	[tilespmem:$0x6080] =	vst v63  }
0x3b: {  	_ =	swait.ge [sflag:s10], $0x4000  }
0x3c: {  	[sflag:s10] =	ssyncset.done $0x0  }
0x3d: {  	[sflag:s10] =	ssyncadd.s32 $0xFFFFC000  }
0x3e: {  	[hbm4b:s4+s2] =	stream.linear.scatter [tilespmem:s8], [sflag:$0x2], $0x4000, $0x38;
	[tilespmem:$0x6080] =	vst v63  }
0x3f: {  	_ =	swait.ge [sflag:s5], $0x4000  }
0x40: {  	[sflag:s5] =	ssyncset.done $0x0  }
0x41: {  	[sflag:s5] =	ssyncadd.s32 $0xFFFFC000  }
0x42: {  	_ =	sfence.sel $0x180000  }
0x43: {  	[bflag:$0x0] =	sbarrier.arrive $0xFFFF  }
0x44: {  	_ =	strace $0x90000047  }
0x45: {  	s0 =	sadd.s32 @!p0 $0x100000, s0;
	[bflag:$0x2] =	sbarrier.arrive $0xFFFF  }
0x46: {  	[sflag:s0] =	ssyncadd.tile.s32 @!p0 $0x1;
	_ =	shalt  }
.Lfunc_end2:
_tile_overlayer_lowered:
.L_overlay_start_2:
0x47: {  	(tag) =	ssettag $0x2  }
0x48: {  	s0 =	rddreg [dreg:$0x0];
	s2 =	stileid.u32  }
0x49: {  	s1 =	rddreg [dreg:$0x1];
	p0 =	sne.s32 s2, $0x0  }
0x4a: {  	s3 =	rddreg [dreg:$0x2];
	[bflag:$0x3] =	sbarrier.arrive $0xFFFF;
	s2 =	simm.s32 @!p0 $0x1C02  }
0x4b: {  	[timem:s3], [sflag:s2] =	dma.local @!p0 [hbm:s0], s1  }
0x4c: {  	s0 =	simm.s32 @!p0 $0x2  }
0x4d: {  	_ =	swait.ge @!p0 [sflag:s0], s1  }
0x4e: {  	s1 =	ssub.s32 @!p0 $0x0, s1;
	[sflag:s0] =	ssyncset.done @!p0 $0x0  }
0x4f: {  	[sflag:s0] =	ssyncadd.s32 @!p0 s1  }
0x50: {  	[bflag:$0x3] =	sbarrier.arrive $0xFFFF  }
0x51: {  	_ =	shalt  }

</sc_bundles>
